<compile_context>
chip_gen: v7x
topology: tpu7x:2x2x1
jax: 0.10.2.dev20260603
libtpu: 0.0.44.dev20260713+nightly
codegen_flags: <defaults>
</compile_context>

<pallas_src>
import jax
import jax.numpy as jnp
from jax.experimental import pallas as pl
from jax.experimental.pallas import tpu as pltpu

_NUM_CLASSES = 81
_LANES = 128
_BLK = 25000


def _onehot_body(lab_ref, out_ref):
    lf = lab_ref[0].astype(jnp.float32)
    ones = jnp.ones((1, _LANES), jnp.float32)
    lb = jax.lax.dot_general(
        lf, ones, (((0,), (0,)), ((), ())),
        preferred_element_type=jnp.float32)
    iota = jax.lax.broadcasted_iota(
        jnp.int32, (_BLK, _LANES), 1).astype(jnp.float32)
    out_ref[0] = jnp.where(lb == iota, 1,
                           jnp.where(lb == -iota, -1, 0)).astype(jnp.int32)


def kernel(cls_label):
    b, n = cls_label.shape
    grid = (b * n) // _BLK
    blocks_per_batch = n // _BLK
    labels = jnp.reshape(cls_label, (grid, 1, _BLK))
    out = pl.pallas_call(
        _onehot_body,
        grid=(grid,),
        in_specs=[pl.BlockSpec((1, 1, _BLK), lambda i: (i, 0, 0))],
        out_specs=pl.BlockSpec(
            (1, _BLK, _LANES),
            lambda i: (i // blocks_per_batch, i % blocks_per_batch, 0)),
        out_shape=jax.ShapeDtypeStruct((b, n, _LANES), jnp.int32),
        compiler_params=pltpu.CompilerParams(
            dimension_semantics=("parallel",)),
    )(labels)
    return out[..., :_NUM_CLASSES]

# --- scband reference (transcript-rebuilt; emitter-appended) ---
"""Pipeline reference for scband-one-hot-class-encoder-15719580304260 (READ-ONLY COPY).

The authoritative reference and input builder live on the scoring server;
editing this copy changes nothing except your own understanding.
"""

import jax, jax.numpy as jnp
import numpy as np

NUM_CLASSES = 81
CLASS_AGNOSTIC_NEG = False
EXCLUDE_BACKGROUND = False


def setup_inputs(seed: int = 0) -> dict:
    key = jax.random.key(seed)
    cls_label = jax.random.randint(key, (8, 100000), 0, NUM_CLASSES, dtype=jnp.int64 if jax.config.jax_enable_x64 else jnp.int32)
    # introduce some negative (ignore) labels to exercise the ignore-mask path,
    # values must stay in (-NUM_CLASSES, NUM_CLASSES)
    kneg = jax.random.fold_in(key, 1)
    neg_mask = jax.random.uniform(kneg, (8, 100000)) < 0.1
    cls_label = jnp.where(neg_mask, -cls_label, cls_label)
    return {"cls_label": cls_label}


def reference(cls_label):
    label_ignore_mask = cls_label < 0
    all_pos_label = jnp.where(label_ignore_mask, -cls_label, cls_label)
    # one_hot -> effectively a scatter of 1s into a zero tensor at class indices
    encoded_label = jax.nn.one_hot(all_pos_label, NUM_CLASSES, dtype=jnp.int32)
    if CLASS_AGNOSTIC_NEG:
        encoded_label = jnp.where(label_ignore_mask[..., None], jnp.full_like(encoded_label, -1), encoded_label)
    else:
        encoded_label = jnp.where(label_ignore_mask[..., None], -encoded_label, encoded_label)
    if EXCLUDE_BACKGROUND:
        encoded_label = encoded_label[..., 1:]
    return encoded_label

if __name__ == "__main__":
    import jax
    _d = setup_inputs()
    print(jax.jit(kernel)(*tuple(_d.values())))

</pallas_src>

<mosaic_0001>
module attributes {stable_mosaic.version = 14 : i64} {
  func.func @_onehot_body(%arg0: i32, %arg1: memref<1x1x25000xi32, #tpu.memory_space<vmem>>, %arg2: memref<1x25000x128xi32, #tpu.memory_space<vmem>>) attributes {dimension_semantics = [#tpu.dimension_semantics<parallel>], iteration_bounds = array<i64: 32>, scalar_prefetch = 0 : i64, scratch_operands = 0 : i64, tpu.core_type = #tpu.core_type<tc>, window_params = [{transform_indices = @transform_0, window_bounds = array<i64: 1, 1, 25000>}, {transform_indices = @transform_1, window_bounds = array<i64: 1, 25000, 128>}]} {
    %get3A = arith.constant 0 : index
    %get3A_0 = arith.constant 0 : index
    %get3A_1 = arith.constant 0 : index
    %get3A_2 = vector.load %arg1[%get3A, %get3A_0, %get3A_1] : memref<1x1x25000xi32, #tpu.memory_space<vmem>>, vector<1x1x25000xi32>
    %get3A_3 = vector.shape_cast %get3A_2 : vector<1x1x25000xi32> to vector<1x25000xi32>
    %convert_element_type3A = arith.sitofp %get3A_3 : vector<1x25000xi32> to vector<1x25000xf32>
    %broadcast_in_dim3A = arith.constant 1.000000e+00 : f32
    %broadcast_in_dim3A_4 = vector.broadcast %broadcast_in_dim3A : f32 to vector<1x128xf32>
    %dot_general3A = arith.constant dense<0.000000e+00> : vector<25000x128xf32>
    %dot_general3A_5 = tpu.matmul %convert_element_type3A, %broadcast_in_dim3A_4, %dot_general3A {dimension_numbers = #tpu.dot_dimension_numbers<[0], [0], [1], [1], [0, 1, 1, 1], [], []>, transpose_lhs_hint = false} : vector<1x25000xf32>, vector<1x128xf32>, vector<25000x128xf32> -> vector<25000x128xf32>
    %iota3A = tpu.iota {dimensions = array<i32: 1>} : vector<25000x128xi32>
    %convert_element_type3A_6 = arith.sitofp %iota3A : vector<25000x128xi32> to vector<25000x128xf32>
    %eq3A = arith.cmpf oeq, %dot_general3A_5, %convert_element_type3A_6 : vector<25000x128xf32>
    %neg3A = arith.constant 0.000000e+00 : f32
    %neg3A_7 = vector.broadcast %neg3A : f32 to vector<25000x128xf32>
    %neg3A_8 = arith.subf %neg3A_7, %convert_element_type3A_6 : vector<25000x128xf32>
    %eq3A_9 = arith.cmpf oeq, %dot_general3A_5, %neg3A_8 : vector<25000x128xf32>
    %jit3A = arith.constant -1 : i32
    %jit3A_10 = arith.constant 0 : i32
    %broadcast_in_dim3A_11 = vector.broadcast %jit3A : i32 to vector<25000x128xi32>
    %broadcast_in_dim3A_12 = vector.broadcast %jit3A_10 : i32 to vector<25000x128xi32>
    %select_n3A = arith.select %eq3A_9, %broadcast_in_dim3A_11, %broadcast_in_dim3A_12 : vector<25000x128xi1>, vector<25000x128xi32>
    %jit3A_13 = arith.constant 1 : i32
    %broadcast_in_dim3A_14 = vector.broadcast %jit3A_13 : i32 to vector<25000x128xi32>
    %select_n3A_15 = arith.select %eq3A, %broadcast_in_dim3A_14, %select_n3A : vector<25000x128xi1>, vector<25000x128xi32>
    %swap3A = arith.constant 0 : index
    %swap3A_16 = arith.constant 0 : index
    %swap3A_17 = arith.constant 0 : index
    %swap3A_18 = vector.load %arg2[%swap3A, %swap3A_16, %swap3A_17] : memref<1x25000x128xi32, #tpu.memory_space<vmem>>, vector<1x25000x128xi32>
    %swap3A_19 = vector.shape_cast %swap3A_18 : vector<1x25000x128xi32> to vector<25000x128xi32>
    %swap3A_20 = vector.shape_cast %select_n3A_15 : vector<25000x128xi32> to vector<1x25000x128xi32>
    tpu.vector_store %arg2[%swap3A, %swap3A_16, %swap3A_17], %swap3A_20 {strides = array<i32>} : memref<1x25000x128xi32, #tpu.memory_space<vmem>>, vector<1x25000x128xi32>,
    return
  }
  func.func @transform_0(%arg0: i32) -> (i32, i32, i32) {
    %c0_i32 = arith.constant 0 : i32
    %c0_i32_0 = arith.constant 0 : i32
    %c0_i32_1 = arith.constant 0 : i32
    return %arg0, %c0_i32, %c0_i32_0 : i32, i32, i32
  }
  func.func @transform_1(%arg0: i32) -> (i32, i32, i32) {
    %jit3A = arith.constant 4 : i32
    %div3A = arith.divsi %arg0, %jit3A : i32
    %sign3A = arith.constant 0 : i32
    %sign3A_0 = arith.cmpi sgt, %arg0, %sign3A : i32
    %sign3A_1 = arith.extui %sign3A_0 : i1 to i32
    %sign3A_2 = arith.constant 0 : i32
    %sign3A_3 = arith.cmpi slt, %arg0, %sign3A_2 : i32
    %sign3A_4 = arith.extui %sign3A_3 : i1 to i32
    %sign3A_5 = arith.subi %sign3A_1, %sign3A_4 : i32
    %sign3A_6 = arith.constant 0 : i32
    %sign3A_7 = arith.cmpi sgt, %jit3A, %sign3A_6 : i32
    %sign3A_8 = arith.extui %sign3A_7 : i1 to i32
    %sign3A_9 = arith.constant 0 : i32
    %sign3A_10 = arith.cmpi slt, %jit3A, %sign3A_9 : i32
    %sign3A_11 = arith.extui %sign3A_10 : i1 to i32
    %sign3A_12 = arith.subi %sign3A_8, %sign3A_11 : i32
    %ne3A = arith.cmpi ne, %sign3A_5, %sign3A_12 : i32
    %rem3A = arith.remsi %arg0, %jit3A : i32
    %ne3A_13 = arith.constant 0 : i32
    %ne3A_14 = arith.cmpi ne, %rem3A, %ne3A_13 : i32
    %and3A = arith.andi %ne3A, %ne3A_14 : i1
    %sub3A = arith.constant 1 : i32
    %sub3A_15 = arith.subi %div3A, %sub3A : i32
    %select_n3A = arith.select %and3A, %sub3A_15, %div3A : i32
    %jit3A_16 = arith.constant 4 : i32
    %eq3A = arith.constant 0 : i32
    %eq3A_17 = arith.cmpi eq, %jit3A_16, %eq3A : i32
    %jit3A_18 = arith.constant 1 : i32
    %select_n3A_19 = arith.select %eq3A_17, %jit3A_18, %jit3A_16 : i32
    %rem3A_20 = arith.remsi %arg0, %select_n3A_19 : i32
    %ne3A_21 = arith.constant 0 : i32
    %ne3A_22 = arith.cmpi ne, %rem3A_20, %ne3A_21 : i32
    %lt3A = arith.constant 0 : i32
    %lt3A_23 = arith.cmpi slt, %rem3A_20, %lt3A : i32
    %lt3A_24 = arith.constant 0 : i32
    %lt3A_25 = arith.cmpi slt, %select_n3A_19, %lt3A_24 : i32
    %ne3A_26 = arith.xori %lt3A_23, %lt3A_25 : i1
    %and3A_27 = arith.andi %ne3A_26, %ne3A_22 : i1
    %add3A = arith.addi %rem3A_20, %select_n3A_19 : i32
    %select_n3A_28 = arith.select %and3A_27, %add3A, %rem3A_20 : i32
    %c0_i32 = arith.constant 0 : i32
    %c0_i32_29 = arith.constant 0 : i32
    return %select_n3A, %select_n3A_28, %c0_i32 : i32, i32, i32
  }
}

</mosaic_0001>

<sc_bundles>
// kernel: sparse-core-data-format-call.cloned.1.call-start
scs
called_computation_lowered:
.L_overlay_start_0:
0x0: {  	s2 =	sld [smem:$0x3FD9]  }
0x1: {  	s3 =	sld [smem:$0x3FFE];
	_ =	sdelay $0x1  }
0x2: {  	s1 =	srdreg.scid  }
0x3: {  	s0 =	sand.u32 $0x1, s1  }
0x4: {  	s18 =	sshll.u32 s0, $0xA;
	s2 =	sadd.s32 s3, s2  }
0x5: {  	s2 =	sadd.s32 s2, s18  }
0x6: {  	[smem:$0x3FC7] =	sst s2  }
0x7: {  	_ = 	snop  }
0x8: {  	s2 =	sld [smem:$0x3FD0];
	(tm) =	ssettm $0x1  }
0x9: {  	s19 =	sld [smem:$0x3FFB];
	_ =	sdelay $0x3  }
0xa: {  	_ =	strace s19  }
0xb: {  	s3 =	sld [smem:$0x3FFC];
	_ =	sdelay $0x3  }
0xc: {  	_ =	strace s3  }
0xd: {  	s3 =	sld [smem:$0x3FFD];
	_ =	sdelay $0x3  }
0xe: {  	_ =	strace s3  }
0xf: {  	_ =	strace $0x8FFFFFFF  }
0x10: {  	s20 =	sld [smem:$0x3FDB];
	_ =	sdelay $0x1  }
0x11: {  	s4 =	simm.s32 $_scs_section_size  }
0x12: {  	s5 =	simm.s32 $_size__tile_overlayer_lowered;
	s6 =	simm.s32 $_tile_overlayer_lowered  }
0x13: {  	s23 =	simm.s32 $0x1BFF;
	s22 =	sshll.u32 s6, $0x1;
	s3 =	sadd.s32 s4, s20  }
0x14: {  	s7 =	simm.s32 $0x0;
	s21 =	sshll.u32 s5, $0x1;
	s5 =	sadd.s32 s22, s3  }
0x15: {  	[timem:s7], [sflag:s23] =	dma.local [hbm:s5], s21  }
0x16: {  	_ =	swait.ge [sflag:s23], s21  }
0x17: {  	s4 =	ssub.s32 $0x0, s21;
	[sflag:s23] =	ssyncset.done $0x0  }
0x18: {  	[sflag:s23] =	ssyncadd.s32 s4;
	_ =	sdelay $0x1  }
0x19: {  	s24 =	simm.s32 $0x1B8B  }
0x1a: {  	_ =	swait.ge [sflag:s24], $0x1  }
0x1b: {  	[sflag:s24] =	ssyncset.done $0x0  }
0x1c: {  	s26 =	simm.s32 $0x1B8E;
	s25 =	sld [smem:$0x3FFE];
	[sflag:s24] =	ssyncadd.s32 $0xFFFFFFFF  }
0x1d: {  	s27 =	simm.s32 $execute0_lowered;
	[smem:$0x3FD2] =	sst s26  }
0x1e: {  	s5 =	sshll.u32 s27, $0x1;
	_ =	strace $0x80000046;
	[dreg:$0x1] =	wrdreg $0xFFFFFFFF  }
0x1f: {  	s28 =	simm.s32 $_size_execute0_lowered;
	s3 =	sadd.s32 s3, s5;
	[dreg:$0x0] =	wrdreg $0x0  }
0x20: {  	s5 =	sshll.u32 s28, $0x1;
	[dreg:$0x2] =	wrdreg s3  }
0x21: {  	[dreg:$0x3] =	wrdreg s5  }
0x22: {  	[dreg:$0x4] =	wrdreg $0xC0  }
0x23: {  	_ =	task [dreg:s7], $0x5FFFF  }
0x24: {  	[dreg:$0x1] =	wrdreg $0xFFFFFFFF  }
0x25: {  	[dreg:$0x0] =	wrdreg $0x60  }
0x26: {  	[dreg:$0x2] =	wrdreg s25  }
0x27: {  	[dreg:$0x3] =	wrdreg s2  }
0x28: {  	[dreg:$0x4] =	wrdreg $0x9  }
0x29: {  	_ =	task.clear_ibuf [dreg:s7], $0x5FFFF;
	_ =	strace $0x90000046  }
0x2a: {  	s29 =	simm.s32 $0x9;
	_ =	strace $0x80000048  }
0x2b: {  	_ =	swait.ge [sflag:s29], $0x1  }
0x2c: {  	[sflag:s29] =	ssyncadd.s32 $0xFFFFFFFF  }
0x2d: {  	_ =	strace $0x90000048  }
0x2e: {  	_ =	sfence  }
0x2f: {  	s30 =	sld [smem:$0x0];
	_ =	sdelay $0x2  }
0x30: {  	s31 =	sshll.u32 s1, $0xD;
	s1 =	sshrl.u32 s1, $0x2  }
0x31: {  	s3 =	sand.u32 $0x4000, s31;
	s1 =	sadd.s32 s1, s30  }
0x32: {  	s0 =	sor.u32 s3, s0;
	s1 =	sshll.u32 s1, $0x11  }
0x33: {  	s0 =	sor.u32 s1, s0  }
0x34: {  	s0 =	sadd.s32 $0x8F2B, s0  }
0x35: {  	[sflag:s0] =	ssyncadd.remote.s32 $0x1  }
0x36: {  	_ =	sfence.sel $0xFFFF  }
0x37: {  	[dreg:$0x0] =	wrdreg $0xFFFFFFFF;
	(pc) =	sbr.abs _section_cstart, $3  }
0x38: {  	[dreg:$0x1] =	wrdreg $0xFFFFFFFF  }
0x39: {  	_ =	task.clear_ibuf [dreg:s7], $0x2FFFF;
	_ =	strace $0x9FFFFFFF  }
0x3a: {  	(tm) =	ssettm $0x7FFFFFFF  }
0x3b: {  	_ =	shalt  }
tec
execute0_lowered:
.L_overlay_start_1:
0x0: {  	(tag) =	ssettag $0x1  }
0x1: {  	s0 =	rddreg [dreg:$0x0]  }
0x2: {  	s4 =	stileid.u32;
	s1 =	srdreg.scid;
	_ =	strace $0x80000047  }
0x3: {  	s29 =	simm.s32 $0x1;
	s31 =	simm.s32 $0x2;
	s15 =	simm.s32 $0x0  }
0x4: {  	s16 =	simm.s32 $0x0;
	s10 =	simm.s32 $0x0;
	s12 =	simm.s32 $0x0  }
0x5: {  	s14 =	simm.s32 $0x0;
	s2 =	sshll.u32 s4, $0x4;
	s1 =	sshll.u32 s1, $0x8  }
.Ltmp0:
0x6: {  	s24 =	simm.s32 $0x0;
	s1 =	sor.u32 s2, s1;
	(pc) =	sbr.rel .LBB1_1-.Ltmp0, $4  }
0x7: {  	s0 =	sadd.s32 $0x400, s0;
	[sflag:s29] =	ssyncpa.u1 $0x0;
	s3 =	sand.u32 $0x180, s1  }
0x8: {  	s7 =	sand.u32 $0x7, s4;
	[dreg:$0x3] =	wrdreg s0;
	s30 =	ssub.s32 $0x18680, s3  }
0x9: {  	[sflag:s31] =	ssyncpa.u1 $0x0;
	s13 =	smov.u32 s7;
	s0 =	sshrl.u32 s30, $0x9  }
0xa: {  	s11 =	smov.u32 s3;
	[dreg:$0x4] =	wrdreg s0;
	s8 =	sadd.s32 $0x2, s0  }
.LBB1_11:
0xb: {  	s0 =	sshrl.u32 s12, $0x3;
	s1 =	sshll.u32 s10, $0x3  }
0xc: {  	s2 =	sshll.u32 s12, $0x7;
	p0 =	sgt.s32 s10, $0x18680;
	s0 =	smul.u32 $0xC3800, s0  }
0xd: {  	s1 =	sand.u32 $0xFFFFFC00, s1;
	s27 =	sand.u32 $0x380, s2;
	s2 =	smov.u32 s10  }
0xe: {  	s2 =	simm.s32 @!p0 $0x18680;
	s0 =	sadd.s32 s0, s1  }
0xf: {  	s28 =	sand.u32 $0x7F, s10;
	s2 =	sadd.s32 s18, s2;
	s0 =	sor.u32 s27, s0  }
0x10: {  	s5 =	sadd.s32 $0xFFFE7980, s2;
	s1 =	sor.u32 s28, s0  }
0x11: {  	s2 =	ssub.s32 $0x18700, s2;
	p0 =	sgt.s32 s5, $0x7F;
	s4 =	smulhi.u32 $0xA79C7B17, s1  }
0x12: {  	s0 =	smulhi.u32 $0xA79C7B17, s0;
	s2 =	simm.s32 @p0 $0x0  }
0x13: {  	s2 =	smul.u32 s2, s17;
	s4 =	sshrl.u32 s4, $0x10  }
0x14: {  	s4 =	smul.u32 $0x18700, s4  }
0x15: {  	s29 =	rddreg [dreg:$0x1];
	s30 =	sor.u32 $0x8000, s19;
	s0 =	sshrl.u32 s0, $0x10  }
0x16: {  	s0 =	sand.u32 $0x7, s0;
	s2 =	smul.u32 $0x51, s2;
	s1 =	ssub.s32 s1, s4  }
0x17: {  	s0 =	smul.u32 $0x30E0, s0;
	s4 =	sshrl.u32 s1, $0x3;
	s1 =	sand.u32 $0x7, s1  }
0x18: {  	s31 =	simm.s32 $0xC3800;
	s4 =	sadd.s32 s29, s4;
	s1 =	sshll.u32 s1, $0x12  }
0x19: {  	s2 =	sand.u32 $0x3FFFFFFF, s2;
	s0 =	sadd.s32 s0, s4;
	s1 =	sor.u32 $0x80, s1  }
0x1a: {  	[hbm4b:s0+s1] =	stream.strided.scatter [tilespmem:s30], [sflag:$0x2], s2, s31, s1, $0x20;
	[tilespmem:$0x10100] =	vst v63  }
.LBB1_12:
0x1b: {  	p0 =	slt.u32 s14, $0x2  }
0x1c: {  	s1 =	smov.u32 s16;
	s2 =	smov.u32 s15;
	p1 =	sgt.s32 @!p0 s16, $0x7  }
0x1d: {  	s0 =	sshra.s32 @!p0 s16, $0x1F;
	p2 =	sgt.s32 @!p0 s15, $0x18680;
	s4 =	sshra.s32 @!p0 s15, $0x1F  }
0x1e: {  	p1 =	por !p1, p0;
	s0 =	sand.u32 @!p0 s0, s16;
	p2 =	por !p2, p0  }
0x1f: {  	s4 =	sand.u32 @!p0 s4, s15;
	s1 =	simm.s32 @p1 $0x7;
	s2 =	simm.s32 @p2 $0x18680  }
0x20: {  	s0 =	ssub.s32 @!p0 s1, s0;
	s1 =	ssub.s32 @!p0 s2, s4  }
0x21: {  	s2 =	sadd.s32 @!p0 $0xFFFFFFF9, s0;
	s0 =	ssub.s32 @!p0 $0x8, s0;
	s4 =	sadd.s32 @!p0 $0xFFFE7980, s1  }
0x22: {  	p1 =	sgt.s32 @!p0 s2, $0x0;
	s0 =	smul.u32 @!p0 $0x51, s0;
	p2 =	sgt.s32 @!p0 s4, $0x7F  }
0x23: {  	s1 =	ssub.s32 @!p0 $0x18700, s1;
	p1 =	por !p1, p0;
	p2 =	por !p2, p0  }
0x24: {  	s0 =	simm.s32 @!p1 $0x0;
	s1 =	simm.s32 @!p2 $0x0  }
0x25: {  	s0 =	smul.u32 @!p0 s1, s0;
	s1 =	sadd.s32 $0x200, s11  }
0x26: {  	s5 =	smov.u32 s13;
	s4 =	sadd.s32 $0x8, s13;
	p1 =	sgt.s32 s1, $0x1869F  }
0x27: {  	s5 =	smov.u32 @p1 s4  }
0x28: {  	s1 =	smov.u32 @p1 s3;
	p1 =	sgt.s32 s5, $0x7  }
0x29: {  	s5 =	smov.u32 @p1 s7;
	p1 =	sne.s32 s14, s8  }
.Ltmp1:
0x2a: {  	s15 =	smov.u32 s10;
	(pc) =	sbr.rel @!p1 .LBB1_13-.Ltmp1, $4  }
0x2b: {  	s16 =	smov.u32 s12;
	s2 =	simm.s32 @!p0 $0x2;
	s0 =	sand.u32 @!p0 $0x3FFFFFFF, s0  }
0x2c: {  	s10 =	smov.u32 s11;
	s12 =	smov.u32 s13;
	_ =	swait.ge @!p0 [sflag:s2], s0  }
0x2d: {  	s0 =	ssub.s32 @!p0 $0x0, s0;
	s11 =	smov.u32 s1;
	[sflag:s2] =	ssyncset.done @!p0 $0x0  }
0x2e: {  	s14 =	sadd.s32 $0x1, s14;
	[sflag:s2] =	ssyncadd.s32 @!p0 s0;
	s13 =	smov.u32 s5  }
.LBB1_1:
0x2f: {  	s0 =	rddreg [dreg:$0x4]  }
0x30: {  	s1 =	smov.u32 s13;
	s5 =	smov.u32 s11;
	p0 =	sgt.u32 s14, s0  }
0x31: {  	p1 =	sgt.s32 @!p0 s13, $0x7;
	s0 =	sand.u32 @!p0 $0x1FFFFFF, s11;
	s4 =	sshra.s32 @!p0 s13, $0x1F  }
0x32: {  	s9 =	sshra.s32 @!p0 s11, $0x1F;
	p1 =	por !p1, p0;
	s2 =	smulhi.u32 @!p0 $0x14F8B59, s0  }
0x33: {  	s4 =	sand.u32 @!p0 s4, s13;
	s1 =	simm.s32 @p1 $0x7;
	p1 =	sgt.s32 @!p0 s11, $0x18620  }
0x34: {  	s9 =	sand.u32 @!p0 s9, s11;
	p1 =	por !p1, p0;
	s1 =	ssub.s32 @!p0 s1, s4  }
0x35: {  	s2 =	sshrl.u32 @!p0 s2, $0x9;
	s5 =	simm.s32 @p1 $0x18620;
	s1 =	sadd.s32 @!p0 $0xFFFFFFF9, s1  }
0x36: {  	s2 =	smul.u32 @!p0 $0x186A0, s2;
	s4 =	ssub.s32 @!p0 s5, s9;
	p1 =	sgt.s32 @!p0 s1, $0x0  }
0x37: {  	s1 =	sshll.u32 @!p0 s1, $0x7;
	s9 =	smul.u32 @!p0 $0x186A00, s13;
	s5 =	sadd.s32 @!p0 $0xFFFE79E0, s4  }
0x38: {  	s4 =	ssub.s32 @!p0 $0x186A0, s4;
	s1 =	ssub.s32 @!p0 $0x80, s1;
	p2 =	sgt.s32 @!p0 s5, $0x7F  }
0x39: {  	p1 =	por !p1, p0;
	s0 =	ssub.s32 @!p0 s0, s2;
	p2 =	por !p2, p0  }
0x3a: {  	s5 =	sxor.u32 @!p0 $0xFFFFFFFF, s14;
	s1 =	simm.s32 @!p1 $0x0;
	s4 =	simm.s32 @!p2 $0x0  }
0x3b: {  	s2 =	sshll.u32 @!p0 s5, $0xE;
	s1 =	smul.u32 @!p0 s4, s1;
	s4 =	rddreg [dreg:$0x3]  }
0x3c: {  	s0 =	sshll.u32 @!p0 s0, $0x4;
	s2 =	sand.u32 @!p0 $0x4000, s2;
	s4 =	sadd.s32 @!p0 s4, s9  }
0x3d: {  	s1 =	sand.u32 @!p0 $0x3FFFFF80, s1;
	s0 =	sadd.s32 @!p0 s0, s4;
	s4 =	simm.s32 @!p0 $0x0  }
0x3e: {  	[tilespmem:s2], [sflag:$0x1] =	stream.linear.gather @!p0 [hbm4b:s0+s4], s1, $0x38;
	[tilespmem:$0x10100] =	vst v63  }
0x3f: {  	p0 =	seq.s32 s14, $0x0  }
0x40: {  	p1 =	sge.u32 @!p0 s14, s8  }
0x41: {  	p0 =	por p0, p1  }
.Ltmp2:
0x42: {  	_ = 	snop;
	(pc) =	sbr.rel @p0 .LBB1_12-.Ltmp2, $1  }
0x43: {  	_ =	sdelay $0x3  }
0x44: {  	p0 =	sgt.s32 s12, $0x7  }
0x45: {  	s0 =	smov.u32 s12;
	s1 =	sshra.s32 s12, $0x1F;
	s2 =	ssub.s32 $0x0, s10  }
0x46: {  	s4 =	sshra.s32 s10, $0x1F;
	s0 =	simm.s32 @!p0 $0x7;
	s1 =	sand.u32 s1, s12  }
0x47: {  	s5 =	smov.u32 s10;
	p0 =	sgt.s32 s10, $0x18620;
	s0 =	ssub.s32 s0, s1  }
0x48: {  	s18 =	sand.u32 s2, s4;
	s5 =	simm.s32 @!p0 $0x18620;
	s1 =	sadd.s32 $0xFFFFFFF9, s0  }
0x49: {  	s2 =	sadd.s32 s18, s5;
	s17 =	ssub.s32 $0x8, s0;
	p0 =	sgt.s32 s1, $0x0  }
0x4a: {  	s29 =	sadd.s32 $0xFFFE79E0, s2;
	s0 =	ssub.s32 $0x186A0, s2;
	s1 =	sadd.s32 $0x1, s12  }
0x4b: {  	s2 =	sadd.s32 $0x80, s10;
	s17 =	simm.s32 @p0 $0x0;
	p0 =	slt.s32 s1, $0x8  }
0x4c: {  	s1 =	simm.s32 @!p0 $0x8;
	p0 =	slt.s32 s2, $0x186A0  }
0x4d: {  	p1 =	sgt.s32 s29, $0x7F;
	s20 =	ssub.s32 s1, s12;
	s2 =	simm.s32 @!p0 $0x186A0  }
0x4e: {  	s0 =	simm.s32 @p1 $0x0;
	s21 =	ssub.s32 s2, s10;
	p0 =	slt.s32 s20, $0x1  }
0x4f: {  	s0 =	smul.u32 s0, s17;
	p1 =	slt.s32 @!p0 s21, $0x1  }
0x50: {  	p1 =	por p0, p1  }
.Ltmp3:
0x51: {  	s0 =	sshll.u32 s0, $0x7;
	(pc) =	sbr.rel @p1 .LBB1_11-.Ltmp3, $4  }
0x52: {  	s31 =	simm.s32 $0x1;
	s30 =	sand.u32 $0x3FFFFF80, s0  }
0x53: {  	_ =	swait.ge [sflag:s31], s30  }
0x54: {  	s0 =	sand.u32 $0x1, s14;
	s1 =	ssub.s32 $0x0, s30;
	[sflag:s31] =	ssyncset.done $0x0  }
0x55: {  	s19 =	smul.u32 $0x4080, s0;
	[sflag:s31] =	ssyncadd.s32 s1  }
0x56: {  	_ = 	snop  }
0x57: {  	s22 =	sshll.u32 @!p0 s0, $0xE;
	s25 =	simm.s32 $0x0;
	s23 =	sor.u32 @!p0 $0x8000, s19  }
.LBB1_4:
0x58: {  	s0 =	sshll.u32 s25, $0x10  }
0x59: {  	s0 =	sshra.s32 s0, $0x2  }
0x5a: {  	s0 =	sadd.s32 s0, s22  }
0x5b: {  	v0 =	vmov s0;
	_ =	sdelay $0x2  }
0x5c: {  	s26 =	sand.u32 $0x7, s25  }
0x5d: {  	s2 =	sand.u32 $0x3F80, s24;
	p1 =	sne.s32 s21, $0x1;
	s0 =	smul.u32 $0x204, s26  }
.Ltmp4:
0x5e: {  	v11 =	vld.idx.msk [tilespmem:v0+s2+$0x0 ss:$0x1], $0xffff;
	(pc) =	sbr.rel @!p1 .LBB1_5-.Ltmp4, $4  }
0x5f: {  	s1 =	simm.s32 $0x1;
	s0 =	sshrl.u32 s0, $0x2;
	v8 =	vld.idx.msk [tilespmem:v0+s2+$0x10 ss:$0x1], $0xffff  }
0x60: {  	s9 =	sand.u32 $0x7F, s24;
	p0 =	por $0x0, $0x0;
	s31 =	sadd.s32 s0, s23;
	v9 =	vld.idx.msk [tilespmem:v0+s2+$0x20 ss:$0x1], $0xffff  }
0x61: {  	s0 =	simm.s32 $0x80;
	s29 =	sadd.s32 $0x810, s31;
	s30 =	sadd.s32 $0x1020, s31;
	v10 =	vld.idx.msk [tilespmem:v0+s2+$0x30 ss:$0x1], $0xffff  }
0x62: {  	s28 =	sadd.s32 $0x1830, s31;
	s27 =	sadd.s32 $0x2040, s31;
	s26 =	sadd.s32 $0x2850, s31;
	v7 =	vld.idx.msk [tilespmem:v0+s2+$0x40 ss:$0x1], $0xffff  }
0x63: {  	_ =	sdelay $0x3  }
0x64: {  	s0 =	sand.u32 $0x3F80, s0;
	s4 =	sadd.s32 s9, s31;
	v1 =	vld.idx.msk [tilespmem:v0+s2+$0x50 ss:$0x1], $0xffff;
	p1 =	sne.s32 s21, $0x2  }
.Ltmp5:
0x65: {  	v2 =	vld.idx.msk [tilespmem:v0+s0+$0x0 ss:$0x1], $0xffff;
	[tilespmem:s4+$0x0 ss:$0x81] =	vst.msk $0xffff, v11;
	s4 =	sadd.s32 s9, s29;
	(pc) =	sbr.rel @!p1 .LBB1_7-.Ltmp5, $4  }
0x66: {  	s5 =	sadd.s32 s9, s30;
	v3 =	vld.idx.msk [tilespmem:v0+s0+$0x10 ss:$0x1], $0xffff;
	[tilespmem:s4+$0x0 ss:$0x81] =	vst.msk $0xffff, v8  }
0x67: {  	s6 =	sadd.s32 s9, s28;
	v4 =	vld.idx.msk [tilespmem:v0+s0+$0x20 ss:$0x1], $0xffff;
	[tilespmem:s5+$0x0 ss:$0x81] =	vst.msk $0xffff, v9  }
0x68: {  	s2 =	simm.s32 $0x2;
	s1 =	sand.u32 $0x7F, s1;
	v5 =	vld.idx.msk [tilespmem:v0+s0+$0x30 ss:$0x1], $0xffff;
	s5 =	sadd.s32 s9, s27;
	[tilespmem:s6+$0x0 ss:$0x81] =	vst.msk $0xffff, v10  }
0x69: {  	p0 =	por $0x1, $0x1;
	v6 =	vld.idx.msk [tilespmem:v0+s0+$0x40 ss:$0x1], $0xffff;
	s4 =	simm.s32 $0x100;
	[tilespmem:s5+$0x0 ss:$0x81] =	vst.msk $0xffff, v7;
	s5 =	sadd.s32 s9, s26  }
.LBB1_8:
0x6a: {  	s6 =	smov.u32 s2;
	s2 =	sadd.s32 $0x1, s2  }
0x6b: {  	s9 =	sadd.s32 s1, s31;
	[tilespmem:s5+$0x0 ss:$0x81] =	vst.msk $0xffff, v1;
	v1 =	vld.idx.msk [tilespmem:v0+s0+$0x50 ss:$0x1], $0xffff;
	s0 =	sand.u32 $0x3F80, s4;
	p1 =	sne.s32 s21, s2  }
.Ltmp6:
0x6c: {  	s5 =	sadd.s32 s1, s29;
	[tilespmem:s9+$0x0 ss:$0x81] =	vst.msk $0xffff, v2;
	v2 =	vld.idx.msk [tilespmem:v0+s0+$0x0 ss:$0x1], $0xffff;
	(pc) =	sbr.rel @p1 .LBB1_8-.Ltmp6, $4  }
0x6d: {  	[tilespmem:s5+$0x0 ss:$0x81] =	vst.msk $0xffff, v3;
	v3 =	vld.idx.msk [tilespmem:v0+s0+$0x10 ss:$0x1], $0xffff;
	s5 =	sadd.s32 s1, s30  }
0x6e: {  	[tilespmem:s5+$0x0 ss:$0x81] =	vst.msk $0xffff, v4;
	v4 =	vld.idx.msk [tilespmem:v0+s0+$0x20 ss:$0x1], $0xffff;
	s5 =	sadd.s32 s1, s28  }
0x6f: {  	[tilespmem:s5+$0x0 ss:$0x81] =	vst.msk $0xffff, v5;
	v5 =	vld.idx.msk [tilespmem:v0+s0+$0x30 ss:$0x1], $0xffff;
	s5 =	sadd.s32 s1, s27  }
0x70: {  	s4 =	sadd.s32 $0x80, s4;
	[tilespmem:s5+$0x0 ss:$0x81] =	vst.msk $0xffff, v6;
	v6 =	vld.idx.msk [tilespmem:v0+s0+$0x40 ss:$0x1], $0xffff;
	s5 =	sadd.s32 s1, s26;
	s1 =	sand.u32 $0x7F, s6  }
0x71: {  	_ =	sdelay $0x3  }
0x72: {  	s9 =	smov.u32 s1;
	s2 =	smov.u32 s0;
	v11 =	vmovc v2;
	v8 =	vmovc v3;
	v9 =	vmov v4;
	v10 =	vmov v5;
	v7 =	vmov v6  }
.LBB1_10:
0x73: {  	_ =	sdelay $0x2  }
0x74: {  	s0 =	sadd.s32 s9, s31;
	[tilespmem:s5+$0x0 ss:$0x81] =	vst.msk @p0 $0xffff, v1;
	s25 =	sadd.s32 $0x1, s25  }
0x75: {  	v0 =	vld.idx.msk [tilespmem:v0+s2+$0x50 ss:$0x1], $0xffff;
	s5 =	sadd.s32 s9, s29;
	[tilespmem:s0+$0x0 ss:$0x81] =	vst.msk $0xffff, v11;
	p0 =	sne.s32 s25, s20  }
.Ltmp7:
0x76: {  	s6 =	sadd.s32 s9, s30;
	[tilespmem:s5+$0x0 ss:$0x81] =	vst.msk $0xffff, v8;
	(pc) =	sbr.rel @p0 .LBB1_4-.Ltmp7, $4  }
.Ltmp8:
0x77: {  	s29 =	sadd.s32 s9, s28;
	[tilespmem:s6+$0x0 ss:$0x81] =	vst.msk $0xffff, v9;
	(pc) =	sbr.rel @!p0 .LBB1_11-.Ltmp8, $4  }
0x78: {  	s30 =	sadd.s32 s9, s27;
	[tilespmem:s29+$0x0 ss:$0x81] =	vst.msk $0xffff, v10  }
0x79: {  	s31 =	sadd.s32 s9, s26;
	[tilespmem:s30+$0x0 ss:$0x81] =	vst.msk $0xffff, v7  }
0x7a: {  	[tilespmem:s31+$0x0 ss:$0x81] =	vst.msk $0xffff, v0  }
0x7b: {  	_ = 	snop  }
.LBB1_5:
.Ltmp9:
0x7c: {  	(pc) =	sbr.rel .LBB1_10-.Ltmp9, $2  }
0x7d: {  	_ =	sdelay $0x2  }
0x7e: {  	_ = 	snop  }
.LBB1_7:
.Ltmp10:
0x7f: {  	_ = 	snop;
	(pc) =	sbr.rel .LBB1_10-.Ltmp10, $2  }
0x80: {  	_ =	sdelay $0x2  }
0x81: {  	s9 =	smov.u32 s1;
	s2 =	smov.u32 s0;
	v11 =	vmovc v2;
	v8 =	vmovc v3;
	v9 =	vmov v4;
	v10 =	vmov v5;
	v7 =	vmov v6  }
.LBB1_13:
0x82: {  	_ =	sfence.sel $0x180000  }
0x83: {  	s0 =	simm.s32 $0x1;
	[bflag:$0x0] =	sbarrier.arrive $0xFFFF  }
0x84: {  	s30 =	simm.s32 $0x2;
	[sflag:s0] =	ssyncpa.u1 $0x1  }
0x85: {  	[sflag:s30] =	ssyncpa.u1 $0x1  }
0x86: {  	_ =	strace $0x90000047  }
0x87: {  	s31 =	stileid.u32;
	[bflag:$0x2] =	sbarrier.arrive $0xFFFF  }
0x88: {  	p0 =	sne.s32 s31, $0x0;
	s0 =	rddreg [dreg:$0x2]  }
0x89: {  	s0 =	sadd.s32 @!p0 $0x100000, s0  }
0x8a: {  	[sflag:s0] =	ssyncadd.tile.s32 @!p0 $0x1;
	_ =	shalt  }
.Lfunc_end1:
_tile_overlayer_lowered:
.L_overlay_start_2:
0x8b: {  	(tag) =	ssettag $0x2  }
0x8c: {  	s0 =	rddreg [dreg:$0x0];
	s2 =	stileid.u32  }
0x8d: {  	s1 =	rddreg [dreg:$0x1];
	p0 =	sne.s32 s2, $0x0  }
0x8e: {  	s3 =	rddreg [dreg:$0x2];
	[bflag:$0x3] =	sbarrier.arrive $0xFFFF;
	s2 =	simm.s32 @!p0 $0x1C01  }
0x8f: {  	[timem:s3], [sflag:s2] =	dma.local @!p0 [hbm:s0], s1  }
0x90: {  	s0 =	simm.s32 @!p0 $0x1  }
0x91: {  	_ =	swait.ge @!p0 [sflag:s0], s1  }
0x92: {  	s1 =	ssub.s32 @!p0 $0x0, s1;
	[sflag:s0] =	ssyncset.done @!p0 $0x0  }
0x93: {  	[sflag:s0] =	ssyncadd.s32 @!p0 s1  }
0x94: {  	[bflag:$0x3] =	sbarrier.arrive $0xFFFF  }
0x95: {  	_ =	shalt  }

</sc_bundles>
